<compile_context>
chip_gen: v7x
topology: tpu7x:2x2x1
jax: 0.10.2.dev20260603
libtpu: 0.0.44.dev20260713+nightly
codegen_flags: <defaults>
</compile_context>

<pallas_src>
import jax
import jax.numpy as jnp
from jax import lax
from jax.experimental import pallas as pl
from jax.experimental.pallas import tpu as pltpu
from jax.experimental.pallas import tpu_sc as plsc

_N = 50000
_D = 128
_E = 300000
_NPAD = 50176
_BLK = 2000
_GRID = _N // _BLK

_NSC = 16
_CHUNK = 128
_RPW = 152
_RPAD = _NSC * _RPW
_PADIDX = _N
_SEG = _NPAD // _NSC


def _sc_counts_body(dst_ref, out_ref, counts_sh, idx_v, ones_v, zb, vb, sem):
    c = lax.axis_index("c")
    s = lax.axis_index("s")

    def zfill(j, carry):
        zb[pl.ds(j * 16, 16)] = jnp.zeros((16,), jnp.float32)
        return carry

    lax.fori_loop(0, _SEG // 16, zfill, 0)

    def ofill(j, carry):
        ones_v[pl.ds(j * 16, 16)] = jnp.ones((16,), jnp.float32)
        return carry

    lax.fori_loop(0, _CHUNK // 16, ofill, 0)

    pltpu.sync_copy(zb, counts_sh.at[pl.ds(s * _SEG, _SEG)])

    pltpu.sync_copy(dst_ref.at[c].at[pl.ds(s * _RPW, _RPW)], idx_v)
    plsc.subcore_barrier()

    def scat(j, carry):
        pltpu.async_copy(ones_v, counts_sh.at[idx_v.at[j]], sem, add=True)
        return carry

    lax.fori_loop(0, _RPW, scat, 0)

    def drain(j, carry):
        pltpu.make_async_copy(ones_v, counts_sh.at[idx_v.at[0]], sem).wait()
        return carry

    lax.fori_loop(0, _RPW, drain, 0)
    plsc.subcore_barrier()

    b0 = jnp.where(s < 9, 2 * s, s + 9)
    nb = jnp.where(s < 9, 2, 1)

    def wout(b, carry):
        pltpu.sync_copy(counts_sh.at[pl.ds(b * _BLK, _BLK)], vb)
        pltpu.sync_copy(vb, out_ref.at[pl.ds(b * 2 * _BLK + c * _BLK, _BLK)])
        return carry

    lax.fori_loop(b0, b0 + nb, wout, 0)


def _sc_counts(dst3):
    mesh = plsc.VectorSubcoreMesh(core_axis_name="c", subcore_axis_name="s",
                                  num_cores=2, num_subcores=_NSC)
    f = pl.kernel(
        _sc_counts_body,
        out_type=jax.ShapeDtypeStruct((_GRID * 2 * _BLK,), jnp.float32),
        mesh=mesh,
        scratch_types=[
            pltpu.VMEM_SHARED((_NPAD,), jnp.float32),
            pltpu.VMEM((_RPW, _CHUNK), jnp.int32),
            pltpu.VMEM((_CHUNK,), jnp.float32),
            pltpu.VMEM((_SEG,), jnp.float32),
            pltpu.VMEM((_BLK,), jnp.float32),
            pltpu.SemaphoreType.DMA,
        ],
    )
    return f(dst3)


def _dense_body(counts_ref, x_ref, w_ref, ptb_ref, fc1a_ref, fc1b_ref, b1_ref,
                fc2_ref, b2_ref, fc3_ref, b3_ref, out_ref, acc_ref):
    i = pl.program_id(0)
    P = lax.Precision.HIGHEST

    @pl.when(i == 0)
    def _init():
        acc_ref[...] = jnp.zeros_like(acc_ref)

    mask2 = jnp.where(counts_ref[0] > 0.0, 1.0, 0.0).astype(jnp.float32)
    mask8 = jnp.concatenate(
        [mask2, jnp.zeros((6, mask2.shape[1]), jnp.float32)], axis=0)
    acc_ref[...] += jnp.dot(mask8, x_ref[...], precision=P,
                            preferred_element_type=jnp.float32)

    @pl.when(i == _GRID - 1)
    def _finish():
        acc = acc_ref[...]
        w = w_ref[...]
        pooled = (0.5 * jnp.dot(acc[0:1, :], w[0], precision=P,
                                preferred_element_type=jnp.float32)
                  + jnp.dot(acc[1:2, :], w[1], precision=P,
                            preferred_element_type=jnp.float32)) * (1.0 / _N)
        pt = ptb_ref[0, 0]
        h = jnp.dot(pooled, fc1a_ref[...], precision=P,
                    preferred_element_type=jnp.float32)
        h = h + pt * fc1b_ref[...] + b1_ref[...]
        h = jnp.where(h > 0, h, 0.01 * h)
        h = jnp.dot(h, fc2_ref[...], precision=P,
                    preferred_element_type=jnp.float32) + b2_ref[...]
        h = jnp.where(h > 0, h, 0.01 * h)
        out_ref[...] = jnp.dot(h, fc3_ref[...], precision=P,
                               preferred_element_type=jnp.float32) + b3_ref[...]


def _dense_call(counts, x, weight_matrices, ptb, fc1a, fc1b, b1, fc2_w, b2,
                fc3_w, b3):
    full = lambda i: (0, 0)
    return pl.pallas_call(
        _dense_body,
        grid=(_GRID,),
        in_specs=[
            pl.BlockSpec((1, 2, _BLK), lambda i: (i, 0, 0)),
            pl.BlockSpec((_BLK, _D), lambda i: (i, 0)),
            pl.BlockSpec((2, _D, _D), lambda i: (0, 0, 0)),
            pl.BlockSpec(memory_space=pltpu.SMEM),
            pl.BlockSpec((_D, 80), full),
            pl.BlockSpec((1, 80), full),
            pl.BlockSpec((1, 80), full),
            pl.BlockSpec((80, 80), full),
            pl.BlockSpec((1, 80), full),
            pl.BlockSpec((80, 2), full),
            pl.BlockSpec((1, 2), full),
        ],
        out_specs=pl.BlockSpec((1, 2), full),
        out_shape=jax.ShapeDtypeStruct((1, 2), jnp.float32),
        scratch_shapes=[pltpu.VMEM((8, _D), jnp.float32)],
    )(counts, x, weight_matrices, ptb, fc1a, fc1b, b1, fc2_w, b2, fc3_w, b3)


def kernel(nodesBatch, edges, problemTypeBatch, weight_matrices, att_w, att_b,
           fc1_w, fc1_b, fc2_w, fc2_b, fc3_w, fc3_b):
    x = nodesBatch[0]
    dst = edges[0, :, :, 1]
    dst_pad = jnp.pad(dst, ((0, 0), (0, _RPAD * _CHUNK - _E)),
                      constant_values=_PADIDX)
    counts = _sc_counts(dst_pad.reshape(2, _RPAD, _CHUNK)).reshape(
        _GRID, 2, _BLK)
    fc1a = fc1_w[:_D, :]
    fc1b = fc1_w[_D:, :]
    out = _dense_call(counts, x, weight_matrices, problemTypeBatch,
                      fc1a, fc1b, fc1_b.reshape(1, 80),
                      fc2_w, fc2_b.reshape(1, 80),
                      fc3_w, fc3_b.reshape(1, 2))
    return out

# --- scband reference (transcript-rebuilt; emitter-appended) ---
"""Pipeline reference for scband-gat-88252987998923 (READ-ONLY COPY).

The authoritative reference and input builder live on the scoring server;
editing this copy changes nothing except your own understanding.
"""

import jax, jax.numpy as jnp
import numpy as np

B = 1
N = 50000
D = 128
E = 300000
K = 2        # numEdgeSets
A = 2        # numAttentionLayers
PASSES = 1
OUT = 2


def setup_inputs(seed: int = 0):
    key = jax.random.key(seed)
    ks = jax.random.split(key, 12)
    nodesBatch = jax.random.normal(ks[0], (B, N, D), dtype=jnp.float32)
    src = jax.random.randint(ks[1], (B, K, E), 0, N, dtype=jnp.int32)
    # dst column sorted per edge set so the original contiguous-slice softmax is well-defined
    dst = jnp.sort(jax.random.randint(ks[2], (B, K, E), 0, N, dtype=jnp.int32), axis=-1)
    edges = jnp.stack([src, dst], axis=-1)  # [B, K, E, 2]
    problemTypeBatch = jax.random.uniform(ks[3], (B, 1), dtype=jnp.float32)
    weight_matrices = jax.random.normal(ks[4], (K, D, D), dtype=jnp.float32) * 0.05
    att_w = jax.random.normal(ks[5], (A, 2 * D), dtype=jnp.float32) * 0.05
    att_b = jnp.zeros((A,), dtype=jnp.float32)
    fc1_w = jax.random.normal(ks[6], (D + 1, 80), dtype=jnp.float32) * 0.05
    fc1_b = jnp.zeros((80,), dtype=jnp.float32)
    fc2_w = jax.random.normal(ks[7], (80, 80), dtype=jnp.float32) * 0.05
    fc2_b = jnp.zeros((80,), dtype=jnp.float32)
    fc3_w = jax.random.normal(ks[8], (80, OUT), dtype=jnp.float32) * 0.05
    fc3_b = jnp.zeros((OUT,), dtype=jnp.float32)
    return {"nodesBatch": nodesBatch, "edges": edges, "problemTypeBatch": problemTypeBatch,
            "weight_matrices": weight_matrices, "att_w": att_w, "att_b": att_b,
            "fc1_w": fc1_w, "fc1_b": fc1_b, "fc2_w": fc2_w, "fc2_b": fc2_b,
            "fc3_w": fc3_w, "fc3_b": fc3_b}


def _graph_forward(x, edgesets, weight_matrices, att_w, att_b):
    # x: [N, D], edgesets: [K, E, 2] with column 1 (dst) sorted ascending per set
    for _ in range(PASSES):
        hPrime = jnp.zeros_like(x)
        for k in range(K):
            src = edgesets[k, :, 0]
            dst = edgesets[k, :, 1]
            W = weight_matrices[k]
            counts = jnp.bincount(dst, length=N)
            size_e = counts[dst]
            # bug-faithful: slice indx[0]:indx[-1] excludes the last edge of each dst segment
            is_last = jnp.concatenate([dst[:-1] != dst[1:], jnp.array([True])])
            not_last = ~is_last
            for a_idx in range(A):
                h_i = x[src] @ W
                h_j = x[dst] @ W
                e = jax.nn.leaky_relu(jnp.concatenate([h_i, h_j], axis=1) @ att_w[a_idx] + att_b[a_idx])
                e_m = jnp.where(not_last, e, -jnp.inf)
                segmax = jax.ops.segment_max(e_m, dst, num_segments=N)
                m = segmax[dst]
                m = jnp.where(jnp.isfinite(m), m, 0.0)
                ex = jnp.where(not_last, jnp.exp(e - m), 0.0)
                denom = jax.ops.segment_sum(ex, dst, num_segments=N)[dst]
                soft = ex / jnp.maximum(denom, 1e-30)
                # singleton dst segments get coefficient 1; last edge of multi-edge segments gets 0
                a_coef = jnp.where(size_e == 1, 1.0, jnp.where(not_last, soft, 0.0))
                hPrime = hPrime.at[src].add(a_coef[:, None] * h_j)
            hPrime = hPrime / A
        x = hPrime
    return x.mean(axis=0)


def reference(nodesBatch, edges, problemTypeBatch, weight_matrices, att_w, att_b,
              fc1_w, fc1_b, fc2_w, fc2_b, fc3_w, fc3_b):
    pooled = jnp.stack([_graph_forward(nodesBatch[b], edges[b], weight_matrices, att_w, att_b)
                        for b in range(B)])
    xcat = jnp.concatenate([pooled, problemTypeBatch], axis=1)
    h = jax.nn.leaky_relu(xcat @ fc1_w + fc1_b)
    h = jax.nn.leaky_relu(h @ fc2_w + fc2_b)
    return h @ fc3_w + fc3_b

if __name__ == "__main__":
    import jax
    _d = setup_inputs()
    print(jax.jit(kernel)(*tuple(_d.values())))

</pallas_src>

<mosaic_0001>
#map = affine_map<(d0, d1) -> (0, 0, 0)>
#map1 = affine_map<(d0, d1) -> (0)>
module attributes {stable_mosaic.version = 14 : i64} {
  func.func @_sc_counts_body(%arg0: i32, %arg1: i32, %arg2: memref<2x2432x128xi32, #tpu.memory_space<hbm>>, %arg3: memref<100000xf32, #tpu.memory_space<hbm>>, %arg4: memref<50176xf32, #tpu.memory_space<vmem_shared>>, %arg5: memref<152x128xi32, #tpu.memory_space<vmem>>, %arg6: memref<128xf32, #tpu.memory_space<vmem>>, %arg7: memref<3136xf32, #tpu.memory_space<vmem>>, %arg8: memref<2000xf32, #tpu.memory_space<vmem>>, %arg9: memref<!tpu.dma_semaphore, #tpu.memory_space<semaphore_mem>>) attributes {dimension_semantics = [#tpu.dimension_semantics<core_parallel>, #tpu.dimension_semantics<subcore_parallel>], iteration_bounds = array<i64: 2, 16>, scalar_prefetch = 0 : i64, scratch_operands = 6 : i64, tpu.core_type = #tpu.core_type<sc_vector_subcore>, window_params = [{transform_indices = #map}, {transform_indices = #map1}]} {
    %scan3A = arith.constant 0 : i32
    %scan3A_0 = arith.constant 0 : i32
    %scan3A_1 = arith.constant 196 : i32
    %scan3A_2 = arith.addi %scan3A_0, %scan3A_1 : i32
    %scan3A_3 = arith.constant 1 : i32
    scf.for %scan3A_44 = %scan3A_0 to %scan3A_2 step %scan3A_3  : i32 {
      %broadcast_in_dim3A = arith.constant 0.000000e+00 : f32
      %broadcast_in_dim3A_45 = vector.broadcast %broadcast_in_dim3A : f32 to vector<16xf32>
      %mul3A_46 = arith.constant 16 : i32
      %mul3A_47 = arith.muli %scan3A_44, %mul3A_46 : i32
      %swap3A = arith.index_cast %mul3A_47 : i32 to index
      %swap3A_48 = tpu.vector_load %arg7[%swap3A] {strides = array<i32>} : memref<3136xf32, #tpu.memory_space<vmem>>, vector<16xf32>,
      %swap3A_49 = vector.shape_cast %swap3A_48 : vector<16xf32> to vector<16xf32>
      %swap3A_50 = vector.shape_cast %broadcast_in_dim3A_45 : vector<16xf32> to vector<16xf32>
      tpu.vector_store %arg7[%swap3A], %swap3A_50 {strides = array<i32>} : memref<3136xf32, #tpu.memory_space<vmem>>, vector<16xf32>,
    }
    %scan3A_4 = arith.constant 196 : i32
    %scan3A_5 = arith.constant 0 : i32
    %scan3A_6 = arith.constant 0 : i32
    %scan3A_7 = arith.constant 8 : i32
    %scan3A_8 = arith.addi %scan3A_6, %scan3A_7 : i32
    %scan3A_9 = arith.constant 1 : i32
    scf.for %scan3A_44 = %scan3A_6 to %scan3A_8 step %scan3A_9  : i32 {
      %broadcast_in_dim3A = arith.constant 1.000000e+00 : f32
      %broadcast_in_dim3A_45 = vector.broadcast %broadcast_in_dim3A : f32 to vector<16xf32>
      %mul3A_46 = arith.constant 16 : i32
      %mul3A_47 = arith.muli %scan3A_44, %mul3A_46 : i32
      %swap3A = arith.index_cast %mul3A_47 : i32 to index
      %swap3A_48 = tpu.vector_load %arg6[%swap3A] {strides = array<i32>} : memref<128xf32, #tpu.memory_space<vmem>>, vector<16xf32>,
      %swap3A_49 = vector.shape_cast %swap3A_48 : vector<16xf32> to vector<16xf32>
      %swap3A_50 = vector.shape_cast %broadcast_in_dim3A_45 : vector<16xf32> to vector<16xf32>
      tpu.vector_store %arg6[%swap3A], %swap3A_50 {strides = array<i32>} : memref<128xf32, #tpu.memory_space<vmem>>, vector<16xf32>,
    }
    %scan3A_10 = arith.constant 8 : i32
    %mul3A = arith.constant 3136 : i32
    %mul3A_11 = arith.muli %arg1, %mul3A : i32
    "tpu.region"() ({
      %run_scoped3A = tpu.sem_alloc : memref<!tpu.dma_semaphore, #tpu.memory_space<semaphore_mem>>
      %dma_start3A = tpu.memref_slice %arg4[%mul3A_11] : memref<50176xf32, #tpu.memory_space<vmem_shared>> -> memref<3136xf32, #tpu.memory_space<vmem_shared>>
      %dma_start3A_44 = tpu.memref_slice %arg4[%mul3A_11] : memref<50176xf32, #tpu.memory_space<vmem_shared>> -> memref<3136xf32, #tpu.memory_space<vmem_shared>>
      tpu.enqueue_dma source(%arg7 : memref<3136xf32, #tpu.memory_space<vmem>>) target(%dma_start3A_44 : memref<3136xf32, #tpu.memory_space<vmem_shared>>) target_semaphore(%run_scoped3A : memref<!tpu.dma_semaphore, #tpu.memory_space<semaphore_mem>>)
      %dma_wait3A = tpu.memref_slice %arg4[%mul3A_11] : memref<50176xf32, #tpu.memory_space<vmem_shared>> -> memref<3136xf32, #tpu.memory_space<vmem_shared>>
      %dma_wait3A_45 = tpu.memref_slice %arg4[%mul3A_11] : memref<50176xf32, #tpu.memory_space<vmem_shared>> -> memref<3136xf32, #tpu.memory_space<vmem_shared>>
      tpu.wait_dma2 semaphore(%run_scoped3A : memref<!tpu.dma_semaphore, #tpu.memory_space<semaphore_mem>>) src(%arg7 : memref<3136xf32, #tpu.memory_space<vmem>>) dst(%dma_wait3A_45 : memref<3136xf32, #tpu.memory_space<vmem_shared>>)
      tpu.yield
    }) : () -> ()
    %mul3A_12 = arith.constant 152 : i32
    %mul3A_13 = arith.muli %arg1, %mul3A_12 : i32
    "tpu.region"() ({
      %run_scoped3A = tpu.sem_alloc : memref<!tpu.dma_semaphore, #tpu.memory_space<semaphore_mem>>
      %dma_start3A = arith.constant 0 : i32
      %dma_start3A_44 = arith.constant 0 : i32
      %dma_start3A_45 = tpu.memref_slice %arg2[%arg0, %dma_start3A, %dma_start3A_44] : memref<2x2432x128xi32, #tpu.memory_space<hbm>> -> memref<1x2432x128xi32, #tpu.memory_space<hbm>>
      %dma_start3A_46 = tpu.memref_squeeze %dma_start3A_45 : memref<1x2432x128xi32, #tpu.memory_space<hbm>> -> memref<2432x128xi32, #tpu.memory_space<hbm>>
      %dma_start3A_47 = arith.constant 0 : i32
      %dma_start3A_48 = tpu.memref_slice %dma_start3A_46[%mul3A_13, %dma_start3A_47] : memref<2432x128xi32, #tpu.memory_space<hbm>> -> memref<152x128xi32, #tpu.memory_space<hbm>>
      %dma_start3A_49 = arith.constant 0 : i32
      %dma_start3A_50 = arith.constant 0 : i32
      %dma_start3A_51 = tpu.memref_slice %arg2[%arg0, %dma_start3A_49, %dma_start3A_50] : memref<2x2432x128xi32, #tpu.memory_space<hbm>> -> memref<1x2432x128xi32, #tpu.memory_space<hbm>>
      %dma_start3A_52 = tpu.memref_squeeze %dma_start3A_51 : memref<1x2432x128xi32, #tpu.memory_space<hbm>> -> memref<2432x128xi32, #tpu.memory_space<hbm>>
      %dma_start3A_53 = arith.constant 0 : i32
      %dma_start3A_54 = tpu.memref_slice %dma_start3A_52[%mul3A_13, %dma_start3A_53] : memref<2432x128xi32, #tpu.memory_space<hbm>> -> memref<152x128xi32, #tpu.memory_space<hbm>>
      tpu.enqueue_dma source(%dma_start3A_54 : memref<152x128xi32, #tpu.memory_space<hbm>>) target(%arg5 : memref<152x128xi32, #tpu.memory_space<vmem>>) target_semaphore(%run_scoped3A : memref<!tpu.dma_semaphore, #tpu.memory_space<semaphore_mem>>)
      %dma_wait3A = arith.constant 0 : i32
      %dma_wait3A_55 = arith.constant 0 : i32
      %dma_wait3A_56 = tpu.memref_slice %arg2[%arg0, %dma_wait3A, %dma_wait3A_55] : memref<2x2432x128xi32, #tpu.memory_space<hbm>> -> memref<1x2432x128xi32, #tpu.memory_space<hbm>>
      %dma_wait3A_57 = tpu.memref_squeeze %dma_wait3A_56 : memref<1x2432x128xi32, #tpu.memory_space<hbm>> -> memref<2432x128xi32, #tpu.memory_space<hbm>>
      %dma_wait3A_58 = arith.constant 0 : i32
      %dma_wait3A_59 = tpu.memref_slice %dma_wait3A_57[%mul3A_13, %dma_wait3A_58] : memref<2432x128xi32, #tpu.memory_space<hbm>> -> memref<152x128xi32, #tpu.memory_space<hbm>>
      %dma_wait3A_60 = arith.constant 0 : i32
      %dma_wait3A_61 = arith.constant 0 : i32
      %dma_wait3A_62 = tpu.memref_slice %arg2[%arg0, %dma_wait3A_60, %dma_wait3A_61] : memref<2x2432x128xi32, #tpu.memory_space<hbm>> -> memref<1x2432x128xi32, #tpu.memory_space<hbm>>
      %dma_wait3A_63 = tpu.memref_squeeze %dma_wait3A_62 : memref<1x2432x128xi32, #tpu.memory_space<hbm>> -> memref<2432x128xi32, #tpu.memory_space<hbm>>
      %dma_wait3A_64 = arith.constant 0 : i32
      %dma_wait3A_65 = tpu.memref_slice %dma_wait3A_63[%mul3A_13, %dma_wait3A_64] : memref<2432x128xi32, #tpu.memory_space<hbm>> -> memref<152x128xi32, #tpu.memory_space<hbm>>
      tpu.wait_dma2 semaphore(%run_scoped3A : memref<!tpu.dma_semaphore, #tpu.memory_space<semaphore_mem>>) src(%dma_wait3A_65 : memref<152x128xi32, #tpu.memory_space<hbm>>) dst(%arg5 : memref<152x128xi32, #tpu.memory_space<vmem>>)
      tpu.yield
    }) : () -> ()
    %barrier3A = arith.constant 0 : index
    tpu.barrier barrier_id(%barrier3A)
    %scan3A_14 = arith.constant 0 : i32
    %scan3A_15 = arith.constant 0 : i32
    %scan3A_16 = arith.constant 152 : i32
    %scan3A_17 = arith.addi %scan3A_15, %scan3A_16 : i32
    %scan3A_18 = arith.constant 1 : i32
    scf.for %scan3A_44 = %scan3A_15 to %scan3A_17 step %scan3A_18  : i32 {
      %dma_start3A = arith.constant 0 : i32
      %dma_start3A_45 = tpu.memref_slice %arg5[%scan3A_44, %dma_start3A] : memref<152x128xi32, #tpu.memory_space<vmem>> -> memref<1x128xi32, #tpu.memory_space<vmem>>
      %dma_start3A_46 = tpu.memref_squeeze %dma_start3A_45 : memref<1x128xi32, #tpu.memory_space<vmem>> -> memref<128xi32, #tpu.memory_space<vmem>>
      %dma_start3A_47 = arith.constant 0 : i32
      %dma_start3A_48 = tpu.memref_slice %arg4[%dma_start3A_47] : memref<50176xf32, #tpu.memory_space<vmem_shared>> -> memref<50176xf32, #tpu.memory_space<vmem_shared>>
      tpu.enqueue_indirect_dma source(%arg6 : memref<128xf32, #tpu.memory_space<vmem>>) target(%dma_start3A_48 : memref<50176xf32, #tpu.memory_space<vmem_shared>>) offsets(%dma_start3A_46 : memref<128xi32, #tpu.memory_space<vmem>>) semaphore(%arg9 : memref<!tpu.dma_semaphore, #tpu.memory_space<semaphore_mem>>) {add = true}
    }
    %scan3A_19 = arith.constant 152 : i32
    %scan3A_20 = arith.constant 0 : i32
    %scan3A_21 = arith.constant 0 : i32
    %scan3A_22 = arith.constant 152 : i32
    %scan3A_23 = arith.addi %scan3A_21, %scan3A_22 : i32
    %scan3A_24 = arith.constant 1 : i32
    scf.for %scan3A_44 = %scan3A_21 to %scan3A_23 step %scan3A_24  : i32 {
      %dma_wait3A = arith.constant 0 : i32
      %dma_wait3A_45 = arith.constant 0 : i32
      %dma_wait3A_46 = tpu.memref_slice %arg5[%dma_wait3A, %dma_wait3A_45] : memref<152x128xi32, #tpu.memory_space<vmem>> -> memref<1x128xi32, #tpu.memory_space<vmem>>
      %dma_wait3A_47 = tpu.memref_squeeze %dma_wait3A_46 : memref<1x128xi32, #tpu.memory_space<vmem>> -> memref<128xi32, #tpu.memory_space<vmem>>
      %dma_wait3A_48 = arith.constant 0 : i32
      %dma_wait3A_49 = tpu.memref_slice %arg4[%dma_wait3A_48] : memref<50176xf32, #tpu.memory_space<vmem_shared>> -> memref<50176xf32, #tpu.memory_space<vmem_shared>>
      tpu.wait_indirect_dma semaphore(%arg9 : memref<!tpu.dma_semaphore, #tpu.memory_space<semaphore_mem>>) src(%arg6 : memref<128xf32, #tpu.memory_space<vmem>>) dst(%dma_wait3A_49 : memref<50176xf32, #tpu.memory_space<vmem_shared>>)
    }
    %scan3A_25 = arith.constant 152 : i32
    %barrier3A_26 = arith.constant 0 : index
    tpu.barrier barrier_id(%barrier3A_26)
    %lt3A = arith.constant 9 : i32
    %lt3A_27 = arith.cmpi slt, %arg1, %lt3A : i32
    %mul3A_28 = arith.constant 2 : i32
    %mul3A_29 = arith.muli %mul3A_28, %arg1 : i32
    %add3A = arith.constant 9 : i32
    %add3A_30 = arith.addi %arg1, %add3A : i32
    %select_n3A = arith.select %lt3A_27, %mul3A_29, %add3A_30 : i32
    %lt3A_31 = arith.constant 9 : i32
    %lt3A_32 = arith.cmpi slt, %arg1, %lt3A_31 : i32
    %jit3A = arith.constant 2 : i32
    %jit3A_33 = arith.constant 1 : i32
    %select_n3A_34 = arith.select %lt3A_32, %jit3A, %jit3A_33 : i32
    %add3A_35 = arith.addi %select_n3A, %select_n3A_34 : i32
    %while3A = arith.constant 0 : i32
    %while3A_36 = arith.subi %add3A_35, %select_n3A : i32
    %while3A_37 = arith.addi %select_n3A, %while3A_36 : i32
    %while3A_38 = arith.constant 1 : i32
    %while3A_39 = arith.divsi %while3A_36, %while3A_38 : i32
    %while3A_40 = arith.muli %while3A_39, %while3A_38 : i32
    %while3A_41 = arith.addi %select_n3A, %while3A_40 : i32
    %while3A_42 = arith.constant 1 : i32
    scf.for %while3A_44 = %select_n3A to %while3A_41 step %while3A_42  : i32 {
      %mul3A_45 = arith.constant 2000 : i32
      %mul3A_46 = arith.muli %while3A_44, %mul3A_45 : i32
      "tpu.region"() ({
        %run_scoped3A = tpu.sem_alloc : memref<!tpu.dma_semaphore, #tpu.memory_space<semaphore_mem>>
        %dma_start3A = tpu.memref_slice %arg4[%mul3A_46] : memref<50176xf32, #tpu.memory_space<vmem_shared>> -> memref<2000xf32, #tpu.memory_space<vmem_shared>>
        %dma_start3A_54 = tpu.memref_slice %arg4[%mul3A_46] : memref<50176xf32, #tpu.memory_space<vmem_shared>> -> memref<2000xf32, #tpu.memory_space<vmem_shared>>
        tpu.enqueue_dma source(%dma_start3A_54 : memref<2000xf32, #tpu.memory_space<vmem_shared>>) target(%arg8 : memref<2000xf32, #tpu.memory_space<vmem>>) target_semaphore(%run_scoped3A : memref<!tpu.dma_semaphore, #tpu.memory_space<semaphore_mem>>)
        %dma_wait3A = tpu.memref_slice %arg4[%mul3A_46] : memref<50176xf32, #tpu.memory_space<vmem_shared>> -> memref<2000xf32, #tpu.memory_space<vmem_shared>>
        %dma_wait3A_55 = tpu.memref_slice %arg4[%mul3A_46] : memref<50176xf32, #tpu.memory_space<vmem_shared>> -> memref<2000xf32, #tpu.memory_space<vmem_shared>>
        tpu.wait_dma2 semaphore(%run_scoped3A : memref<!tpu.dma_semaphore, #tpu.memory_space<semaphore_mem>>) src(%dma_wait3A_55 : memref<2000xf32, #tpu.memory_space<vmem_shared>>) dst(%arg8 : memref<2000xf32, #tpu.memory_space<vmem>>)
        tpu.yield
      }) : () -> ()
      %mul3A_47 = arith.constant 2 : i32
      %mul3A_48 = arith.muli %while3A_44, %mul3A_47 : i32
      %mul3A_49 = arith.constant 2000 : i32
      %mul3A_50 = arith.muli %mul3A_48, %mul3A_49 : i32
      %mul3A_51 = arith.constant 2000 : i32
      %mul3A_52 = arith.muli %arg0, %mul3A_51 : i32
      %add3A_53 = arith.addi %mul3A_50, %mul3A_52 : i32
      "tpu.region"() ({
        %run_scoped3A = tpu.sem_alloc : memref<!tpu.dma_semaphore, #tpu.memory_space<semaphore_mem>>
        %dma_start3A = tpu.memref_slice %arg3[%add3A_53] : memref<100000xf32, #tpu.memory_space<hbm>> -> memref<2000xf32, #tpu.memory_space<hbm>>
        %dma_start3A_54 = tpu.memref_slice %arg3[%add3A_53] : memref<100000xf32, #tpu.memory_space<hbm>> -> memref<2000xf32, #tpu.memory_space<hbm>>
        tpu.enqueue_dma source(%arg8 : memref<2000xf32, #tpu.memory_space<vmem>>) target(%dma_start3A_54 : memref<2000xf32, #tpu.memory_space<hbm>>) target_semaphore(%run_scoped3A : memref<!tpu.dma_semaphore, #tpu.memory_space<semaphore_mem>>)
        %dma_wait3A = tpu.memref_slice %arg3[%add3A_53] : memref<100000xf32, #tpu.memory_space<hbm>> -> memref<2000xf32, #tpu.memory_space<hbm>>
        %dma_wait3A_55 = tpu.memref_slice %arg3[%add3A_53] : memref<100000xf32, #tpu.memory_space<hbm>> -> memref<2000xf32, #tpu.memory_space<hbm>>
        tpu.wait_dma2 semaphore(%run_scoped3A : memref<!tpu.dma_semaphore, #tpu.memory_space<semaphore_mem>>) src(%arg8 : memref<2000xf32, #tpu.memory_space<vmem>>) dst(%dma_wait3A_55 : memref<2000xf32, #tpu.memory_space<hbm>>)
        tpu.yield
      }) : () -> ()
    }
    %while3A_43 = arith.constant 1 : i32
    scf.for %while3A_44 = %while3A_41 to %while3A_37 step %while3A_43  : i32 {
      %mul3A_45 = arith.constant 2000 : i32
      %mul3A_46 = arith.muli %while3A_44, %mul3A_45 : i32
      "tpu.region"() ({
        %run_scoped3A = tpu.sem_alloc : memref<!tpu.dma_semaphore, #tpu.memory_space<semaphore_mem>>
        %dma_start3A = tpu.memref_slice %arg4[%mul3A_46] : memref<50176xf32, #tpu.memory_space<vmem_shared>> -> memref<2000xf32, #tpu.memory_space<vmem_shared>>
        %dma_start3A_54 = tpu.memref_slice %arg4[%mul3A_46] : memref<50176xf32, #tpu.memory_space<vmem_shared>> -> memref<2000xf32, #tpu.memory_space<vmem_shared>>
        tpu.enqueue_dma source(%dma_start3A_54 : memref<2000xf32, #tpu.memory_space<vmem_shared>>) target(%arg8 : memref<2000xf32, #tpu.memory_space<vmem>>) target_semaphore(%run_scoped3A : memref<!tpu.dma_semaphore, #tpu.memory_space<semaphore_mem>>)
        %dma_wait3A = tpu.memref_slice %arg4[%mul3A_46] : memref<50176xf32, #tpu.memory_space<vmem_shared>> -> memref<2000xf32, #tpu.memory_space<vmem_shared>>
        %dma_wait3A_55 = tpu.memref_slice %arg4[%mul3A_46] : memref<50176xf32, #tpu.memory_space<vmem_shared>> -> memref<2000xf32, #tpu.memory_space<vmem_shared>>
        tpu.wait_dma2 semaphore(%run_scoped3A : memref<!tpu.dma_semaphore, #tpu.memory_space<semaphore_mem>>) src(%dma_wait3A_55 : memref<2000xf32, #tpu.memory_space<vmem_shared>>) dst(%arg8 : memref<2000xf32, #tpu.memory_space<vmem>>)
        tpu.yield
      }) : () -> ()
      %mul3A_47 = arith.constant 2 : i32
      %mul3A_48 = arith.muli %while3A_44, %mul3A_47 : i32
      %mul3A_49 = arith.constant 2000 : i32
      %mul3A_50 = arith.muli %mul3A_48, %mul3A_49 : i32
      %mul3A_51 = arith.constant 2000 : i32
      %mul3A_52 = arith.muli %arg0, %mul3A_51 : i32
      %add3A_53 = arith.addi %mul3A_50, %mul3A_52 : i32
      "tpu.region"() ({
        %run_scoped3A = tpu.sem_alloc : memref<!tpu.dma_semaphore, #tpu.memory_space<semaphore_mem>>
        %dma_start3A = tpu.memref_slice %arg3[%add3A_53] : memref<100000xf32, #tpu.memory_space<hbm>> -> memref<2000xf32, #tpu.memory_space<hbm>>
        %dma_start3A_54 = tpu.memref_slice %arg3[%add3A_53] : memref<100000xf32, #tpu.memory_space<hbm>> -> memref<2000xf32, #tpu.memory_space<hbm>>
        tpu.enqueue_dma source(%arg8 : memref<2000xf32, #tpu.memory_space<vmem>>) target(%dma_start3A_54 : memref<2000xf32, #tpu.memory_space<hbm>>) target_semaphore(%run_scoped3A : memref<!tpu.dma_semaphore, #tpu.memory_space<semaphore_mem>>)
        %dma_wait3A = tpu.memref_slice %arg3[%add3A_53] : memref<100000xf32, #tpu.memory_space<hbm>> -> memref<2000xf32, #tpu.memory_space<hbm>>
        %dma_wait3A_55 = tpu.memref_slice %arg3[%add3A_53] : memref<100000xf32, #tpu.memory_space<hbm>> -> memref<2000xf32, #tpu.memory_space<hbm>>
        tpu.wait_dma2 semaphore(%run_scoped3A : memref<!tpu.dma_semaphore, #tpu.memory_space<semaphore_mem>>) src(%arg8 : memref<2000xf32, #tpu.memory_space<vmem>>) dst(%dma_wait3A_55 : memref<2000xf32, #tpu.memory_space<hbm>>)
        tpu.yield
      }) : () -> ()
    }
    return
  }
}

module attributes {stable_mosaic.version = 14 : i64} {
  func.func @_dense_body(%arg0: i32, %arg1: memref<1x2x2000xf32, #tpu.memory_space<vmem>>, %arg2: memref<2000x128xf32, #tpu.memory_space<vmem>>, %arg3: memref<2x128x128xf32, #tpu.memory_space<vmem>>, %arg4: memref<1x1xf32, #tpu.memory_space<smem>>, %arg5: memref<128x80xf32, #tpu.memory_space<vmem>>, %arg6: memref<1x80xf32, #tpu.memory_space<vmem>>, %arg7: memref<1x80xf32, #tpu.memory_space<vmem>>, %arg8: memref<80x80xf32, #tpu.memory_space<vmem>>, %arg9: memref<1x80xf32, #tpu.memory_space<vmem>>, %arg10: memref<80x2xf32, #tpu.memory_space<vmem>>, %arg11: memref<1x2xf32, #tpu.memory_space<vmem>>, %arg12: memref<1x2xf32, #tpu.memory_space<vmem>>, %arg13: memref<8x128xf32, #tpu.memory_space<vmem>>) attributes {dimension_semantics = [#tpu.dimension_semantics<arbitrary>], iteration_bounds = array<i64: 25>, scalar_prefetch = 0 : i64, scratch_operands = 1 : i64, tpu.core_type = #tpu.core_type<tc>, window_params = [{transform_indices = @transform_0, window_bounds = array<i64: 1, 2, 2000>}, {transform_indices = @transform_1, window_bounds = array<i64: 2000, 128>}, {pipeline_mode = #tpu.pipeline_mode<synchronous>, transform_indices = @transform_2, window_bounds = array<i64: 2, 128, 128>}, {transform_indices = @transform_3, window_bounds = array<i64: 1, 1>}, {pipeline_mode = #tpu.pipeline_mode<synchronous>, transform_indices = @transform_4, window_bounds = array<i64: 128, 80>}, {pipeline_mode = #tpu.pipeline_mode<synchronous>, transform_indices = @transform_5, window_bounds = array<i64: 1, 80>}, {pipeline_mode = #tpu.pipeline_mode<synchronous>, transform_indices = @transform_6, window_bounds = array<i64: 1, 80>}, {pipeline_mode = #tpu.pipeline_mode<synchronous>, transform_indices = @transform_7, window_bounds = array<i64: 80, 80>}, {pipeline_mode = #tpu.pipeline_mode<synchronous>, transform_indices = @transform_8, window_bounds = array<i64: 1, 80>}, {pipeline_mode = #tpu.pipeline_mode<synchronous>, transform_indices = @transform_9, window_bounds = array<i64: 80, 2>}, {pipeline_mode = #tpu.pipeline_mode<synchronous>, transform_indices = @transform_10, window_bounds = array<i64: 1, 2>}, {pipeline_mode = #tpu.pipeline_mode<synchronous>, transform_indices = @transform_11, window_bounds = array<i64: 1, 2>}]} {
    %eq3A = arith.constant 0 : i32
    %eq3A_0 = arith.cmpi eq, %arg0, %eq3A : i32
    %convert_element_type3A = arith.extui %eq3A_0 : i1 to i32
    %cond3A = arith.constant 0 : i32
    %cond3A_1 = arith.cmpi ne, %convert_element_type3A, %cond3A : i32
    scf.if %cond3A_1 {
      %broadcast_in_dim3A_26 = arith.constant 0.000000e+00 : f32
      %broadcast_in_dim3A_27 = vector.broadcast %broadcast_in_dim3A_26 : f32 to vector<8x128xf32>
      %swap3A_28 = arith.constant 0 : index
      %swap3A_29 = arith.constant 0 : index
      %swap3A_30 = vector.load %arg13[%swap3A_28, %swap3A_29] : memref<8x128xf32, #tpu.memory_space<vmem>>, vector<8x128xf32>
      tpu.vector_store %arg13[%swap3A_28, %swap3A_29], %broadcast_in_dim3A_27 {strides = array<i32>} : memref<8x128xf32, #tpu.memory_space<vmem>>, vector<8x128xf32>,
    } else {
    }
    %get3A = arith.constant 0 : index
    %get3A_2 = arith.constant 0 : index
    %get3A_3 = arith.constant 0 : index
    %get3A_4 = vector.load %arg1[%get3A, %get3A_2, %get3A_3] : memref<1x2x2000xf32, #tpu.memory_space<vmem>>, vector<1x2x2000xf32>
    %get3A_5 = vector.shape_cast %get3A_4 : vector<1x2x2000xf32> to vector<2x2000xf32>
    %gt3A = arith.constant 0.000000e+00 : f32
    %gt3A_6 = vector.broadcast %gt3A : f32 to vector<2x2000xf32>
    %gt3A_7 = arith.cmpf ogt, %get3A_5, %gt3A_6 : vector<2x2000xf32>
    %jit3A = arith.constant 1.000000e+00 : f32
    %jit3A_8 = arith.constant 0.000000e+00 : f32
    %broadcast_in_dim3A = vector.broadcast %jit3A : f32 to vector<2x2000xf32>
    %broadcast_in_dim3A_9 = vector.broadcast %jit3A_8 : f32 to vector<2x2000xf32>
    %select_n3A = arith.select %gt3A_7, %broadcast_in_dim3A, %broadcast_in_dim3A_9 : vector<2x2000xi1>, vector<2x2000xf32>
    %broadcast_in_dim3A_10 = arith.constant 0.000000e+00 : f32
    %broadcast_in_dim3A_11 = vector.broadcast %broadcast_in_dim3A_10 : f32 to vector<6x2000xf32>
    %concatenate3A = tpu.concatenate %select_n3A, %broadcast_in_dim3A_11 in 0 : vector<2x2000xf32>, vector<6x2000xf32> -> vector<8x2000xf32>
    %get3A_12 = arith.constant 0 : index
    %get3A_13 = arith.constant 0 : index
    %get3A_14 = vector.load %arg13[%get3A_12, %get3A_13] : memref<8x128xf32, #tpu.memory_space<vmem>>, vector<8x128xf32>
    %get3A_15 = arith.constant 0 : index
    %get3A_16 = arith.constant 0 : index
    %get3A_17 = vector.load %arg2[%get3A_15, %get3A_16] : memref<2000x128xf32, #tpu.memory_space<vmem>>, vector<2000x128xf32>
    %dot_general3A = arith.constant dense<0.000000e+00> : vector<8x128xf32>
    %dot_general3A_18 = tpu.matmul %concatenate3A, %get3A_17, %dot_general3A {dimension_numbers = #tpu.dot_dimension_numbers<[1], [0], [0], [1], [0, 0, 1, 1], [], []>, precision = #tpu.contract_precision<fp32>, transpose_lhs_hint = false} : vector<8x2000xf32>, vector<2000x128xf32>, vector<8x128xf32> -> vector<8x128xf32>
    %add3A = arith.addf %get3A_14, %dot_general3A_18 : vector<8x128xf32>
    %swap3A = arith.constant 0 : index
    %swap3A_19 = arith.constant 0 : index
    %swap3A_20 = vector.load %arg13[%swap3A, %swap3A_19] : memref<8x128xf32, #tpu.memory_space<vmem>>, vector<8x128xf32>
    tpu.vector_store %arg13[%swap3A, %swap3A_19], %add3A {strides = array<i32>} : memref<8x128xf32, #tpu.memory_space<vmem>>, vector<8x128xf32>,
    %eq3A_21 = arith.constant 24 : i32
    %eq3A_22 = arith.cmpi eq, %arg0, %eq3A_21 : i32
    %convert_element_type3A_23 = arith.extui %eq3A_22 : i1 to i32
    %cond3A_24 = arith.constant 0 : i32
    %cond3A_25 = arith.cmpi ne, %convert_element_type3A_23, %cond3A_24 : i32
    scf.if %cond3A_25 {
      %get3A_26 = arith.constant 0 : index
      %get3A_27 = arith.constant 0 : index
      %get3A_28 = vector.load %arg13[%get3A_26, %get3A_27] : memref<8x128xf32, #tpu.memory_space<vmem>>, vector<8x128xf32>
      %get3A_29 = arith.constant 0 : index
      %get3A_30 = arith.constant 0 : index
      %get3A_31 = arith.constant 0 : index
      %get3A_32 = vector.load %arg3[%get3A_29, %get3A_30, %get3A_31] : memref<2x128x128xf32, #tpu.memory_space<vmem>>, vector<2x128x128xf32>
      %slice3A = vector.extract_strided_slice %get3A_28 {offsets = [0, 0], sizes = [1, 128], strides = [1, 1]} : vector<8x128xf32> to vector<1x128xf32>
      %slice3A_33 = vector.extract_strided_slice %get3A_32 {offsets = [0, 0, 0], sizes = [1, 128, 128], strides = [1, 1, 1]} : vector<2x128x128xf32> to vector<1x128x128xf32>
      %squeeze3A = vector.shape_cast %slice3A_33 : vector<1x128x128xf32> to vector<128x128xf32>
      %dot_general3A_34 = arith.constant dense<0.000000e+00> : vector<1x128xf32>
      %dot_general3A_35 = tpu.matmul %slice3A, %squeeze3A, %dot_general3A_34 {dimension_numbers = #tpu.dot_dimension_numbers<[1], [0], [0], [1], [0, 0, 1, 1], [], []>, precision = #tpu.contract_precision<fp32>, transpose_lhs_hint = false} : vector<1x128xf32>, vector<128x128xf32>, vector<1x128xf32> -> vector<1x128xf32>
      %mul3A = arith.constant 5.000000e-01 : f32
      %mul3A_36 = vector.broadcast %mul3A : f32 to vector<1x128xf32>
      %mul3A_37 = arith.mulf %mul3A_36, %dot_general3A_35 : vector<1x128xf32>
      %slice3A_38 = vector.extract_strided_slice %get3A_28 {offsets = [1, 0], sizes = [1, 128], strides = [1, 1]} : vector<8x128xf32> to vector<1x128xf32>
      %slice3A_39 = vector.extract_strided_slice %get3A_32 {offsets = [1, 0, 0], sizes = [1, 128, 128], strides = [1, 1, 1]} : vector<2x128x128xf32> to vector<1x128x128xf32>
      %squeeze3A_40 = vector.shape_cast %slice3A_39 : vector<1x128x128xf32> to vector<128x128xf32>
      %dot_general3A_41 = arith.constant dense<0.000000e+00> : vector<1x128xf32>
      %dot_general3A_42 = tpu.matmul %slice3A_38, %squeeze3A_40, %dot_general3A_41 {dimension_numbers = #tpu.dot_dimension_numbers<[1], [0], [0], [1], [0, 0, 1, 1], [], []>, precision = #tpu.contract_precision<fp32>, transpose_lhs_hint = false} : vector<1x128xf32>, vector<128x128xf32>, vector<1x128xf32> -> vector<1x128xf32>
      %add3A_43 = arith.addf %mul3A_37, %dot_general3A_42 : vector<1x128xf32>
      %mul3A_44 = arith.constant 2.000000e-05 : f32
      %mul3A_45 = vector.broadcast %mul3A_44 : f32 to vector<1x128xf32>
      %mul3A_46 = arith.mulf %add3A_43, %mul3A_45 : vector<1x128xf32>
      %get3A_47 = arith.constant 0 : index
      %get3A_48 = arith.constant 0 : index
      %get3A_49 = memref.load %arg4[%get3A_47, %get3A_48] : memref<1x1xf32, #tpu.memory_space<smem>>
      %get3A_50 = arith.constant 0 : index
      %get3A_51 = arith.constant 0 : index
      %get3A_52 = vector.load %arg5[%get3A_50, %get3A_51] : memref<128x80xf32, #tpu.memory_space<vmem>>, vector<128x80xf32>
      %dot_general3A_53 = arith.constant dense<0.000000e+00> : vector<1x80xf32>
      %dot_general3A_54 = tpu.matmul %mul3A_46, %get3A_52, %dot_general3A_53 {dimension_numbers = #tpu.dot_dimension_numbers<[1], [0], [0], [1], [0, 0, 1, 1], [], []>, precision = #tpu.contract_precision<fp32>, transpose_lhs_hint = false} : vector<1x128xf32>, vector<128x80xf32>, vector<1x80xf32> -> vector<1x80xf32>
      %get3A_55 = arith.constant 0 : index
      %get3A_56 = arith.constant 0 : index
      %get3A_57 = vector.load %arg6[%get3A_55, %get3A_56] : memref<1x80xf32, #tpu.memory_space<vmem>>, vector<1x80xf32>
      %mul3A_58 = vector.broadcast %get3A_49 : f32 to vector<1x80xf32>
      %mul3A_59 = arith.mulf %mul3A_58, %get3A_57 : vector<1x80xf32>
      %add3A_60 = arith.addf %dot_general3A_54, %mul3A_59 : vector<1x80xf32>
      %get3A_61 = arith.constant 0 : index
      %get3A_62 = arith.constant 0 : index
      %get3A_63 = vector.load %arg7[%get3A_61, %get3A_62] : memref<1x80xf32, #tpu.memory_space<vmem>>, vector<1x80xf32>
      %add3A_64 = arith.addf %add3A_60, %get3A_63 : vector<1x80xf32>
      %gt3A_65 = arith.constant 0.000000e+00 : f32
      %gt3A_66 = vector.broadcast %gt3A_65 : f32 to vector<1x80xf32>
      %gt3A_67 = arith.cmpf ogt, %add3A_64, %gt3A_66 : vector<1x80xf32>
      %mul3A_68 = arith.constant 0.00999999977 : f32
      %mul3A_69 = vector.broadcast %mul3A_68 : f32 to vector<1x80xf32>
      %mul3A_70 = arith.mulf %mul3A_69, %add3A_64 : vector<1x80xf32>
      %select_n3A_71 = arith.select %gt3A_67, %add3A_64, %mul3A_70 : vector<1x80xi1>, vector<1x80xf32>
      %get3A_72 = arith.constant 0 : index
      %get3A_73 = arith.constant 0 : index
      %get3A_74 = vector.load %arg8[%get3A_72, %get3A_73] : memref<80x80xf32, #tpu.memory_space<vmem>>, vector<80x80xf32>
      %dot_general3A_75 = arith.constant dense<0.000000e+00> : vector<1x80xf32>
      %dot_general3A_76 = tpu.matmul %select_n3A_71, %get3A_74, %dot_general3A_75 {dimension_numbers = #tpu.dot_dimension_numbers<[1], [0], [0], [1], [0, 0, 1, 1], [], []>, precision = #tpu.contract_precision<fp32>, transpose_lhs_hint = false} : vector<1x80xf32>, vector<80x80xf32>, vector<1x80xf32> -> vector<1x80xf32>
      %get3A_77 = arith.constant 0 : index
      %get3A_78 = arith.constant 0 : index
      %get3A_79 = vector.load %arg9[%get3A_77, %get3A_78] : memref<1x80xf32, #tpu.memory_space<vmem>>, vector<1x80xf32>
      %add3A_80 = arith.addf %dot_general3A_76, %get3A_79 : vector<1x80xf32>
      %gt3A_81 = arith.constant 0.000000e+00 : f32
      %gt3A_82 = vector.broadcast %gt3A_81 : f32 to vector<1x80xf32>
      %gt3A_83 = arith.cmpf ogt, %add3A_80, %gt3A_82 : vector<1x80xf32>
      %mul3A_84 = arith.constant 0.00999999977 : f32
      %mul3A_85 = vector.broadcast %mul3A_84 : f32 to vector<1x80xf32>
      %mul3A_86 = arith.mulf %mul3A_85, %add3A_80 : vector<1x80xf32>
      %select_n3A_87 = arith.select %gt3A_83, %add3A_80, %mul3A_86 : vector<1x80xi1>, vector<1x80xf32>
      %get3A_88 = arith.constant 0 : index
      %get3A_89 = arith.constant 0 : index
      %get3A_90 = vector.load %arg10[%get3A_88, %get3A_89] : memref<80x2xf32, #tpu.memory_space<vmem>>, vector<80x2xf32>
      %dot_general3A_91 = arith.constant dense<0.000000e+00> : vector<1x2xf32>
      %dot_general3A_92 = tpu.matmul %select_n3A_87, %get3A_90, %dot_general3A_91 {dimension_numbers = #tpu.dot_dimension_numbers<[1], [0], [0], [1], [0, 0, 1, 1], [], []>, precision = #tpu.contract_precision<fp32>, transpose_lhs_hint = false} : vector<1x80xf32>, vector<80x2xf32>, vector<1x2xf32> -> vector<1x2xf32>
      %get3A_93 = arith.constant 0 : index
      %get3A_94 = arith.constant 0 : index
      %get3A_95 = vector.load %arg11[%get3A_93, %get3A_94] : memref<1x2xf32, #tpu.memory_space<vmem>>, vector<1x2xf32>
      %add3A_96 = arith.addf %dot_general3A_92, %get3A_95 : vector<1x2xf32>
      %swap3A_97 = arith.constant 0 : index
      %swap3A_98 = arith.constant 0 : index
      %swap3A_99 = vector.load %arg12[%swap3A_97, %swap3A_98] : memref<1x2xf32, #tpu.memory_space<vmem>>, vector<1x2xf32>
      tpu.vector_store %arg12[%swap3A_97, %swap3A_98], %add3A_96 {strides = array<i32>} : memref<1x2xf32, #tpu.memory_space<vmem>>, vector<1x2xf32>,
    } else {
    }
    return
  }
  func.func @transform_0(%arg0: i32) -> (i32, i32, i32) {
    %c0_i32 = arith.constant 0 : i32
    %c0_i32_0 = arith.constant 0 : i32
    %c0_i32_1 = arith.constant 0 : i32
    return %arg0, %c0_i32, %c0_i32_0 : i32, i32, i32
  }
  func.func @transform_1(%arg0: i32) -> (i32, i32) {
    %c0_i32 = arith.constant 0 : i32
    %c0_i32_0 = arith.constant 0 : i32
    return %arg0, %c0_i32 : i32, i32
  }
  func.func @transform_2(%arg0: i32) -> (i32, i32, i32) {
    %c0_i32 = arith.constant 0 : i32
    %c0_i32_0 = arith.constant 0 : i32
    %c0_i32_1 = arith.constant 0 : i32
    %c0_i32_2 = arith.constant 0 : i32
    return %c0_i32, %c0_i32_0, %c0_i32_1 : i32, i32, i32
  }
  func.func @transform_3(%arg0: i32) -> (i32, i32) {
    %c0_i32 = arith.constant 0 : i32
    %c0_i32_0 = arith.constant 0 : i32
    %c0_i32_1 = arith.constant 0 : i32
    return %c0_i32, %c0_i32_0 : i32, i32
  }
  func.func @transform_4(%arg0: i32) -> (i32, i32) {
    %c0_i32 = arith.constant 0 : i32
    %c0_i32_0 = arith.constant 0 : i32
    %c0_i32_1 = arith.constant 0 : i32
    return %c0_i32, %c0_i32_0 : i32, i32
  }
  func.func @transform_5(%arg0: i32) -> (i32, i32) {
    %c0_i32 = arith.constant 0 : i32
    %c0_i32_0 = arith.constant 0 : i32
    %c0_i32_1 = arith.constant 0 : i32
    return %c0_i32, %c0_i32_0 : i32, i32
  }
  func.func @transform_6(%arg0: i32) -> (i32, i32) {
    %c0_i32 = arith.constant 0 : i32
    %c0_i32_0 = arith.constant 0 : i32
    %c0_i32_1 = arith.constant 0 : i32
    return %c0_i32, %c0_i32_0 : i32, i32
  }
  func.func @transform_7(%arg0: i32) -> (i32, i32) {
    %c0_i32 = arith.constant 0 : i32
    %c0_i32_0 = arith.constant 0 : i32
    %c0_i32_1 = arith.constant 0 : i32
    return %c0_i32, %c0_i32_0 : i32, i32
  }
  func.func @transform_8(%arg0: i32) -> (i32, i32) {
    %c0_i32 = arith.constant 0 : i32
    %c0_i32_0 = arith.constant 0 : i32
    %c0_i32_1 = arith.constant 0 : i32
    return %c0_i32, %c0_i32_0 : i32, i32
  }
  func.func @transform_9(%arg0: i32) -> (i32, i32) {
    %c0_i32 = arith.constant 0 : i32
    %c0_i32_0 = arith.constant 0 : i32
    %c0_i32_1 = arith.constant 0 : i32
    return %c0_i32, %c0_i32_0 : i32, i32
  }
  func.func @transform_10(%arg0: i32) -> (i32, i32) {
    %c0_i32 = arith.constant 0 : i32
    %c0_i32_0 = arith.constant 0 : i32
    %c0_i32_1 = arith.constant 0 : i32
    return %c0_i32, %c0_i32_0 : i32, i32
  }
  func.func @transform_11(%arg0: i32) -> (i32, i32) {
    %c0_i32 = arith.constant 0 : i32
    %c0_i32_0 = arith.constant 0 : i32
    %c0_i32_1 = arith.constant 0 : i32
    return %c0_i32, %c0_i32_0 : i32, i32
  }
}

</mosaic_0001>

<sc_bundles>
// kernel: kernel.4.cloned.1.call-start
scs
__scs_entry_jumppad:
0x0: {  	(pc) =	sbr.rel $0x88, $3  }
0x1: {  	(tag) =	ssettag $0x0;
	lr =	simm.s32 $0x1  }
0x2: {  	[smem:$0x3F97] =	sst lr;
	_ =	strace $0xD0000000  }
0x3: {  	_ = 	snop  }
0x4: {  	_ = 	snop  }
0x5: {  	_ = 	snop  }
0x6: {  	_ = 	snop  }
0x7: {  	_ = 	snop  }
__scs_overlays_trampoline_lowered:
0x8: {  	[smem:$0x3FA6] =	sst s0  }
0x9: {  	[smem:$0x3FA7] =	sst s1  }
0xa: {  	[smem:$0x3FA8] =	sst s2  }
0xb: {  	[smem:$0x3FA9] =	sst s3  }
0xc: {  	[smem:$0x3FAA] =	sst s4  }
0xd: {  	[smem:$0x3FAB] =	sst s5  }
0xe: {  	[smem:$0x3FAC] =	sst s6  }
0xf: {  	[smem:$0x3FAD] =	sst s7  }
0x10: {  	[smem:$0x3FAE] =	sst s8  }
0x11: {  	[smem:$0x3FAF] =	sst s9;
	s0 =	simm.s32 @!p0 $0x0  }
0x12: {  	s1 =	sld [smem:$0x3F95];
	s0 =	simm.s32 @p0 $0x1  }
0x13: {  	[smem:$0x3FB0] =	sst s0;
	s0 =	simm.s32 @!p1 $0x0  }
0x14: {  	s2 =	sld [smem:$0x3F94];
	s0 =	simm.s32 @p1 $0x1  }
0x15: {  	[smem:$0x3FB1] =	sst s0;
	s0 =	simm.s32 @!p2 $0x0  }
0x16: {  	s3 =	sld [smem:$0x3FDB];
	s0 =	simm.s32 @p2 $0x1  }
0x17: {  	s4 =	simm.s32 $0x1BF5;
	[smem:$0x3FB3] =	sst s0  }
0x18: {  	s0 =	sld [smem:$0x3F96];
	_ =	swait.ge [sflag:s4], $0x0  }
0x19: {  	s7 =	sld [smem:$0x3F97]  }
0x1a: {  	s8 =	sadd.s32 $0xFFFFE003, lr  }
0x1b: {  	s9 =	sadd.s32 $0xFFFFFEF7, lr;
	s5 =	simm.s32 $0xFFFFFFFF;
	p2 =	slt.u32 s8, $0xFFFFF086  }
0x1c: {  	p1 =	slt.u32 s9, $0xF7A;
	s5 =	simm.s32 @!p2 $0x0  }
0x1d: {  	s5 =	simm.s32 @p1 $0x1;
	p0 =	seq.s32 s7, s2  }
0x1e: {  	s7 =	smul.u32 @!p0 $0xF7A, s2;
	p2 =	seq.s32 @!p0 s5, $0x0  }
0x1f: {  	s9 =	smul.u32 $0xF7A, s1;
	s8 =	simm.s32 @!p0 $0x1BF5;
	p2 =	por !p2, p0  }
0x20: {  	[sflag:s8] =	ssyncset.s32 @!p0 $0xFFFFF086;
	s6 =	sadd.s32 @!p0 s3, s7;
	s7 =	simm.s32 @!p0 $0x108  }
0x21: {  	s3 =	sadd.s32 s3, s9;
	s6 =	sadd.s32 @!p0 $0x88, s6;
	s7 =	simm.s32 @p2 $0x1082  }
0x22: {  	[simem:s7], [sflag:s8] =	dma.local @!p0 [hbm:s6], $0xF7A  }
0x23: {  	s9 =	sor.u32 $0xD0000000, s2;
	s6 =	simm.s32 $0x108;
	_ =	swait.ge @!p0 [sflag:s8], $0x0  }
0x24: {  	s3 =	sadd.s32 $0x88, s3;
	s6 =	simm.s32 @!p1 $0x1082;
	[sflag:s4] =	ssyncset.s32 $0xFFFFF086  }
0x25: {  	[simem:s6], [sflag:s4] =	dma.local [hbm:s3], $0xF7A  }
0x26: {  	[smem:$0x3F97] =	sst s1;
	(tag) =	ssettag s2;
	_ =	strace s9  }
0x27: {  	s1 =	sld [smem:$0x3FA7]  }
0x28: {  	s2 =	sld [smem:$0x3FA8]  }
0x29: {  	s4 =	sld [smem:$0x3FAA]  }
0x2a: {  	p0 =	seq.s32 s5, $0x0;
	s5 =	sld [smem:$0x3FAB]  }
0x2b: {  	s6 =	sld [smem:$0x3FAC]  }
0x2c: {  	s7 =	sld [smem:$0x3FAD]  }
0x2d: {  	s3 =	simm.s32 $0x108;
	s8 =	sld [smem:$0x3FAE]  }
0x2e: {  	s3 =	simm.s32 @!p0 $0x1082;
	s9 =	sld [smem:$0x3FAF]  }
0x2f: {  	lr =	sadd.s32 s0, s3;
	s0 =	sld [smem:$0x3FA6]  }
0x30: {  	s3 =	sld [smem:$0x3FA9]  }
0x31: {  	[smem:$0x3FB2] =	sst s10  }
0x32: {  	s10 =	sld [smem:$0x3FB0];
	_ =	sdelay $0x3  }
0x33: {  	p0 =	seq.s32 s10, $0x1;
	s10 =	sld [smem:$0x3FB2];
	_ =	sdelay $0x3  }
0x34: {  	[smem:$0x3FB2] =	sst s10  }
0x35: {  	s10 =	sld [smem:$0x3FB1];
	_ =	sdelay $0x3  }
0x36: {  	p1 =	seq.s32 s10, $0x1;
	s10 =	sld [smem:$0x3FB2];
	_ =	sdelay $0x3  }
0x37: {  	[smem:$0x3FB2] =	sst s10  }
0x38: {  	s10 =	sld [smem:$0x3FB3]  }
0x39: {  	_ = 	snop;
	(pc) =	sbr.ind lr, $3  }
0x3a: {  	_ = 	snop  }
0x3b: {  	_ = 	snop  }
0x3c: {  	p2 =	seq.s32 s10, $0x1;
	s10 =	sld [smem:$0x3FB2]  }
0x3d: {  	_ =	shalt  }
0x3e: {  	_ =	shalt  }
0x3f: {  	_ =	shalt  }
0x40: {  	_ =	shalt  }
0x41: {  	_ =	shalt  }
0x42: {  	_ =	shalt  }
0x43: {  	_ =	shalt  }
0x44: {  	_ =	shalt  }
0x45: {  	_ =	shalt  }
0x46: {  	_ =	shalt  }
0x47: {  	_ =	shalt  }
0x48: {  	_ =	shalt  }
0x49: {  	_ =	shalt  }
0x4a: {  	_ =	shalt  }
0x4b: {  	_ =	shalt  }
0x4c: {  	_ =	shalt  }
0x4d: {  	_ =	shalt  }
0x4e: {  	_ =	shalt  }
0x4f: {  	_ =	shalt  }
0x50: {  	_ =	shalt  }
0x51: {  	_ =	shalt  }
0x52: {  	_ =	shalt  }
0x53: {  	_ =	shalt  }
0x54: {  	_ =	shalt  }
0x55: {  	_ =	shalt  }
0x56: {  	_ =	shalt  }
0x57: {  	_ =	shalt  }
0x58: {  	_ =	shalt  }
0x59: {  	_ =	shalt  }
0x5a: {  	_ =	shalt  }
0x5b: {  	_ =	shalt  }
0x5c: {  	_ =	shalt  }
0x5d: {  	_ =	shalt  }
0x5e: {  	_ =	shalt  }
0x5f: {  	_ =	shalt  }
0x60: {  	_ =	shalt  }
0x61: {  	_ =	shalt  }
0x62: {  	_ =	shalt  }
0x63: {  	_ =	shalt  }
0x64: {  	_ =	shalt  }
0x65: {  	_ =	shalt  }
0x66: {  	_ =	shalt  }
0x67: {  	_ =	shalt  }
0x68: {  	_ =	shalt  }
0x69: {  	_ =	shalt  }
0x6a: {  	_ =	shalt  }
0x6b: {  	_ =	shalt  }
0x6c: {  	_ =	shalt  }
0x6d: {  	_ =	shalt  }
0x6e: {  	_ =	shalt  }
0x6f: {  	_ =	shalt  }
0x70: {  	_ =	shalt  }
0x71: {  	_ =	shalt  }
0x72: {  	_ =	shalt  }
0x73: {  	_ =	shalt  }
0x74: {  	_ =	shalt  }
0x75: {  	_ =	shalt  }
0x76: {  	_ =	shalt  }
0x77: {  	_ =	shalt  }
0x78: {  	_ =	shalt  }
0x79: {  	_ =	shalt  }
0x7a: {  	_ =	shalt  }
0x7b: {  	_ =	shalt  }
0x7c: {  	_ =	shalt  }
0x7d: {  	_ =	shalt  }
0x7e: {  	_ =	shalt  }
0x7f: {  	_ =	shalt  }
0x80: {  	_ =	shalt  }
0x81: {  	_ =	shalt  }
0x82: {  	_ =	shalt  }
0x83: {  	_ =	shalt  }
0x84: {  	_ =	shalt  }
0x85: {  	_ =	shalt  }
0x86: {  	_ =	shalt  }
0x87: {  	_ =	shalt  }
.Lfunc_end0:
.L_simem_size_0:
called_computation_lowered:
.L_overlay_start_0:
0x88: {  	s2 =	sld [smem:$0x3FD9]  }
0x89: {  	s3 =	sld [smem:$0x3FFE];
	_ =	sdelay $0x1  }
0x8a: {  	s1 =	srdreg.scid  }
0x8b: {  	s0 =	sand.u32 $0x1, s1  }
0x8c: {  	s16 =	sshll.u32 s0, $0xA;
	s2 =	sadd.s32 s3, s2  }
0x8d: {  	s2 =	sadd.s32 s2, s16  }
0x8e: {  	[smem:$0x3FBE] =	sst s2  }
0x8f: {  	_ = 	snop  }
0x90: {  	(tm) =	ssettm $0x1  }
0x91: {  	s17 =	sld [smem:$0x3FFB];
	_ =	sdelay $0x3  }
0x92: {  	_ =	strace s17  }
0x93: {  	s2 =	sld [smem:$0x3FFC];
	_ =	sdelay $0x3  }
0x94: {  	_ =	strace s2  }
0x95: {  	s2 =	sld [smem:$0x3FFD];
	_ =	sdelay $0x3  }
0x96: {  	_ =	strace s2  }
0x97: {  	_ =	strace $0x8FFFFFFF  }
0x98: {  	s18 =	sld [smem:$0x3FDB];
	_ =	sdelay $0x1  }
0x99: {  	s19 =	simm.s32 $_scs_section_size  }
0x9a: {  	s4 =	simm.s32 $_size__tile_overlayer_lowered;
	s5 =	simm.s32 $_tile_overlayer_lowered  }
0x9b: {  	s22 =	simm.s32 $0x1BFF;
	s21 =	sshll.u32 s5, $0x1;
	s2 =	sadd.s32 s19, s18  }
0x9c: {  	s6 =	simm.s32 $0x0;
	s20 =	sshll.u32 s4, $0x1;
	s4 =	sadd.s32 s21, s2  }
0x9d: {  	[timem:s6], [sflag:s22] =	dma.local [hbm:s4], s20  }
0x9e: {  	_ =	swait.ge [sflag:s22], s20  }
0x9f: {  	s3 =	ssub.s32 $0x0, s20;
	[sflag:s22] =	ssyncset.done $0x0  }
0xa0: {  	[sflag:s22] =	ssyncadd.s32 s3;
	_ =	sdelay $0x1  }
0xa1: {  	s23 =	simm.s32 $0x1B8B  }
0xa2: {  	_ =	swait.ge [sflag:s23], $0x1  }
0xa3: {  	[sflag:s23] =	ssyncset.done $0x0  }
0xa4: {  	s25 =	simm.s32 $0x1B8E;
	s24 =	sld [smem:$0x3FFE];
	[sflag:s23] =	ssyncadd.s32 $0xFFFFFFFF  }
0xa5: {  	s26 =	simm.s32 $execute0_lowered;
	[smem:$0x3FD2] =	sst s25  }
0xa6: {  	s4 =	sshll.u32 s26, $0x1;
	_ =	strace $0x80000046;
	[dreg:$0x1] =	wrdreg $0xFFFFFFFF  }
0xa7: {  	s28 =	simm.s32 $_size_execute0_lowered;
	s2 =	sadd.s32 s2, s4;
	[dreg:$0x0] =	wrdreg $0x0  }
0xa8: {  	s4 =	sshll.u32 s28, $0x1;
	[dreg:$0x2] =	wrdreg s2  }
0xa9: {  	[dreg:$0x3] =	wrdreg s4  }
0xaa: {  	[dreg:$0x4] =	wrdreg $0xC0  }
0xab: {  	_ =	task [dreg:s6], $0x5FFFF  }
0xac: {  	[dreg:$0x1] =	wrdreg $0xFFFFFFFF  }
0xad: {  	[dreg:$0x0] =	wrdreg $0x60  }
0xae: {  	[dreg:$0x2] =	wrdreg s24  }
0xaf: {  	[dreg:$0x3] =	wrdreg $0x0  }
0xb0: {  	[dreg:$0x4] =	wrdreg $0x9  }
0xb1: {  	_ =	task.clear_ibuf [dreg:s6], $0x5FFFF;
	_ =	strace $0x90000046  }
0xb2: {  	s29 =	simm.s32 $0x9;
	_ =	strace $0x80000048  }
0xb3: {  	_ =	swait.ge [sflag:s29], $0x1  }
0xb4: {  	[sflag:s29] =	ssyncadd.s32 $0xFFFFFFFF  }
0xb5: {  	_ =	strace $0x90000048  }
0xb6: {  	_ =	sfence  }
0xb7: {  	s30 =	sld [smem:$0x0];
	_ =	sdelay $0x2  }
0xb8: {  	s31 =	sshll.u32 s1, $0xD;
	s1 =	sshrl.u32 s1, $0x2  }
0xb9: {  	s3 =	sand.u32 $0x4000, s31;
	s1 =	sadd.s32 s1, s30  }
0xba: {  	s0 =	sor.u32 s3, s0;
	s1 =	sshll.u32 s1, $0x11  }
0xbb: {  	s0 =	sor.u32 s1, s0  }
0xbc: {  	s0 =	sadd.s32 $0x8F2B, s0  }
0xbd: {  	[sflag:s0] =	ssyncadd.remote.s32 $0x1  }
0xbe: {  	_ =	sfence.sel $0xFFFF  }
0xbf: {  	[dreg:$0x0] =	wrdreg $0xFFFFFFFF;
	(pc) =	sbr.abs _section_cstart, $3  }
0xc0: {  	[dreg:$0x1] =	wrdreg $0xFFFFFFFF  }
0xc1: {  	_ =	task.clear_ibuf [dreg:s6], $0x2FFFF;
	_ =	strace $0x9FFFFFFF  }
0xc2: {  	(tm) =	ssettm $0x7FFFFFFF  }
0xc3: {  	_ =	shalt  }
tec
execute0_lowered:
.L_overlay_start_1:
0x0: {  	(tag) =	ssettag $0x1  }
0x1: {  	s5 =	rddreg [dreg:$0x0]  }
0x2: {  	s2 =	rddreg [dreg:$0x1]  }
0x3: {  	s1 =	srdreg.scid;
	s0 =	rddreg [dreg:$0x2];
	s4 =	simm.s32 $0x0  }
0x4: {  	s14 =	simm.s32 $0x80;
	s15 =	simm.s32 $0x5840;
	s16 =	simm.s32 $0x1  }
0x5: {  	s17 =	simm.s32 $0x6540;
	s6 =	sand.u32 $0x1, s1;
	s1 =	stileid.u32  }
0x6: {  	s18 =	simm.s32 $0x0;
	[smem:$0x7FF] =	sst s4;
	s8 =	smul.u32 $0x7D0, s6  }
0x7: {  	p0 =	slt.u32 s1, $0x9;
	s7 =	sshll.u32 s1, $0x1;
	s10 =	smul.u32 $0x9800, s6  }
0x8: {  	s3 =	sadd.s32 $0x9, s1;
	_ =	strace $0x80000047;
	s29 =	smul.u32 $0x3100, s1  }
0x9: {  	s6 =	ssub.s32 $0x2, s6;
	s13 =	smul.u32 $0x980, s1;
	s3 =	smov.u32 @p0 s7  }
0xa: {  	s11 =	sshrl.u32 s6, $0x1;
	s7 =	sadd.s32 $0x2, s7;
	s9 =	smul.u32 $0xFA0, s3  }
0xb: {  	s10 =	sadd.s32 s10, s5;
	s11 =	ssub.s32 s6, s11;
	s30 =	sshrl.u32 s29, $0x2  }
0xc: {  	s31 =	smul.u32 $0x1F40, s3;
	s6 =	sadd.s32 $0xA, s1;
	s12 =	sadd.s32 $0x1200, s10  }
.Ltmp0:
0xd: {  	s6 =	smov.u32 @p0 s7;
	s7 =	smax.u32 s11, $0x1;
	(pc) =	sbr.rel .LBB2_1-.Ltmp0, $4  }
0xe: {  	s10 =	simm.s32 $0x58C0;
	s11 =	simm.s32 $0x2;
	s8 =	sadd.s32 s8, s9  }
0xf: {  	s9 =	sshrl.u32 s31, $0x2;
	s12 =	sadd.s32 s13, s12;
	s8 =	sshrl.u32 s8, $0x3  }
0x10: {  	s13 =	simm.s32 $0xC40;
	p0 =	sge.u32 s3, s6;
	s8 =	sadd.s32 s8, s5  }
0x11: {  	v0 =	vimm.f32 $0.0e+00;
	v1 =	vimm.f32 $1.000000000e+00;
	s9 =	sadd.s32 s9, s2;
	s5 =	sadd.s32 s30, s2;
	s8 =	sadd.s32 $0x14200, s8  }
.LBB2_10:
0x12: {  	[sflag:s11] =	ssyncadd.s32 $0xFFFFF830  }
.LBB2_11:
0x13: {  	s18 =	sadd.s32 $0x1, s18  }
0x14: {  	p1 =	sne.s32 s18, s7  }
.Ltmp1:
0x15: {  	_ = 	snop;
	(pc) =	sbr.rel @!p1 .LBB2_12-.Ltmp1, $1  }
0x16: {  	_ =	sdelay $0x3  }
.LBB2_1:
0x17: {  	s19 =	simm.s32 $0x40;
	s20 =	simm.s32 $0x0  }
.LBB2_2:
0x18: {  	p1 =	sne.s32 s19, $0x30C0;
	[tilespmem:s20+$0x58C0] =	vst v0;
	s20 =	smov.u32 s19;
	s19 =	sadd.s32 $0x40, s19  }
.Ltmp2:
0x19: {  	(pc) =	sbr.rel @p1 .LBB2_2-.Ltmp2, $2  }
0x1a: {  	_ =	sdelay $0x2  }
0x1b: {  	s20 =	sshra.s32 s20, $0x2  }
0x1c: {  	[tilespmem:s20+$0x58C0] =	vst v0  }
0x1d: {  	[tilespmem:$0x5840] =	vst v1  }
0x1e: {  	[tilespmem:$0x5850] =	vst v1  }
0x1f: {  	[tilespmem:$0x5860] =	vst v1  }
0x20: {  	[tilespmem:$0x5870] =	vst v1  }
0x21: {  	[tilespmem:$0x5880] =	vst v1  }
0x22: {  	[tilespmem:$0x5890] =	vst v1  }
0x23: {  	[tilespmem:$0x58A0] =	vst v1  }
0x24: {  	[tilespmem:$0x58B0] =	vst v1  }
0x25: {  	[spmem:s5] =	stream.linear.scatter [tilespmem:s10], [sflag:$0x2], $0xC40, $0x38;
	[tilespmem:$0x6D40] =	vst v63  }
0x26: {  	_ =	swait.ge [sflag:s11], $0xC40  }
0x27: {  	[sflag:s11] =	ssyncset.done $0x0  }
0x28: {  	s19 =	simm.s32 $0x0;
	[sflag:s11] =	ssyncadd.s32 $0xFFFFF3C0  }
0x29: {  	[tilespmem:s13], [sflag:$0x2] =	stream.linear.gather [hbm4b:s12+s19], $0x4C00, $0x38;
	[tilespmem:$0x6D40] =	vst v63  }
0x2a: {  	_ =	swait.ge [sflag:s11], $0x4C00  }
0x2b: {  	[sflag:s11] =	ssyncset.done $0x0  }
0x2c: {  	[sflag:s11] =	ssyncadd.s32 $0xFFFFB400  }
0x2d: {  	[bflag:$0x0] =	sbarrier.arrive $0xFFFF  }
.LBB2_4:
0x2e: {  	p1 =	sne.s32 s19, $0x12E00  }
.Ltmp3:
0x2f: {  	_ = 	snop;
	(pc) =	sbr.rel @p1 .LBB2_4-.Ltmp3, $4  }
0x30: {  	_ = 	snop  }
0x31: {  	s20 =	sshra.s32 s19, $0x2  }
0x32: {  	s19 =	sadd.s32 $0x200, s19;
	s20 =	sadd.s32 $0xC40, s20  }
0x33: {  	[spmem:s2] =	stream.indirect.scatter.add.f32 [tilespmem:s15], [sflag:$0x1], $0x1, s20, s14, $0xb8;
	[tilespmem:$0x6D40] =	vst v63  }
0x34: {  	_ =	swait.ge [sflag:s16], $0x80  }
0x35: {  	s19 =	simm.s32 $0x97;
	[sflag:s16] =	ssyncset.done $0x0  }
.LBB2_6:
0x36: {  	p1 =	sne.s32 s19, $0x1;
	s19 =	sadd.s32 $0xFFFFFFFF, s19;
	[sflag:s16] =	ssyncadd.s32 $0xFFFFFF80  }
.Ltmp4:
0x37: {  	(pc) =	sbr.rel @p1 .LBB2_6-.Ltmp4, $3  }
0x38: {  	_ =	sdelay $0x1  }
0x39: {  	_ =	swait.ge [sflag:s16], $0x80  }
0x3a: {  	[sflag:s16] =	ssyncset.done $0x0  }
.Ltmp5:
0x3b: {  	(pc) =	sbr.rel @p0 .LBB2_11-.Ltmp5, $3  }
0x3c: {  	_ = 	snop  }
0x3d: {  	[sflag:s16] =	ssyncadd.s32 $0xFFFFFF80  }
0x3e: {  	[bflag:$0x0] =	sbarrier.arrive $0xFFFF;
	_ =	sdelay $0x1  }
0x3f: {  	[tilespmem:s17], [sflag:$0x2] =	stream.linear.gather [spmem:s9], $0x7D0, $0x38;
	[tilespmem:$0x6D40] =	vst v63  }
0x40: {  	s19 =	sadd.s32 $0x1, s3  }
0x41: {  	_ =	swait.ge [sflag:s11], $0x7D0;
	p1 =	slt.u32 s19, s6  }
.Ltmp6:
0x42: {  	[sflag:s11] =	ssyncset.done $0x0;
	(pc) =	sbr.rel @!p1 .LBB2_10-.Ltmp6, $4  }
0x43: {  	[sflag:s11] =	ssyncadd.s32 $0xFFFFF830  }
0x44: {  	[hbm4b:s8+s4] =	stream.linear.scatter [tilespmem:s17], [sflag:$0x2], $0x7D0, $0x38;
	[tilespmem:$0x6D40] =	vst v63  }
0x45: {  	_ =	swait.ge [sflag:s11], $0x7D0  }
0x46: {  	s20 =	sadd.s32 $0x7D0, s9;
	s21 =	smov.u32 s8;
	[sflag:s11] =	ssyncset.done $0x0  }
.LBB2_9:
0x47: {  	s19 =	sadd.s32 $0x1, s19;
	[sflag:s11] =	ssyncadd.s32 $0xFFFFF830;
	s21 =	sadd.s32 $0x1F4, s21  }
0x48: {  	[tilespmem:s17], [sflag:$0x2] =	stream.linear.gather [spmem:s20], $0x7D0, $0x38;
	[tilespmem:$0x6D40] =	vst v63  }
0x49: {  	p1 =	slt.u32 s19, s6;
	_ =	swait.ge [sflag:s11], $0x7D0  }
.Ltmp7:
0x4a: {  	[sflag:s11] =	ssyncset.done $0x0;
	(pc) =	sbr.rel @p1 .LBB2_9-.Ltmp7, $4  }
0x4b: {  	[sflag:s11] =	ssyncadd.s32 $0xFFFFF830  }
0x4c: {  	[hbm4b:s21+s4] =	stream.linear.scatter [tilespmem:s17], [sflag:$0x2], $0x7D0, $0x38;
	[tilespmem:$0x6D40] =	vst v63  }
0x4d: {  	_ =	swait.ge [sflag:s11], $0x7D0  }
0x4e: {  	s20 =	sadd.s32 $0x7D0, s20;
	[sflag:s11] =	ssyncset.done $0x0  }
.Ltmp8:
0x4f: {  	_ = 	snop;
	(pc) =	sbr.rel .LBB2_10-.Ltmp8, $1  }
0x50: {  	_ =	sdelay $0x3  }
.LBB2_12:
0x51: {  	_ =	sfence.sel $0x180000  }
0x52: {  	[bflag:$0x0] =	sbarrier.arrive $0xFFFF  }
0x53: {  	p0 =	sne.s32 s1, $0x0;
	_ =	strace $0x90000047  }
0x54: {  	s0 =	sadd.s32 @!p0 $0x100000, s0;
	[bflag:$0x2] =	sbarrier.arrive $0xFFFF  }
0x55: {  	[sflag:s0] =	ssyncadd.tile.s32 @!p0 $0x1;
	_ =	shalt  }
.Lfunc_end2:
_tile_overlayer_lowered:
.L_overlay_start_2:
0x56: {  	(tag) =	ssettag $0x2  }
0x57: {  	s0 =	rddreg [dreg:$0x0];
	s2 =	stileid.u32  }
0x58: {  	s1 =	rddreg [dreg:$0x1];
	p0 =	sne.s32 s2, $0x0  }
0x59: {  	s3 =	rddreg [dreg:$0x2];
	[bflag:$0x3] =	sbarrier.arrive $0xFFFF;
	s2 =	simm.s32 @!p0 $0x1C02  }
0x5a: {  	[timem:s3], [sflag:s2] =	dma.local @!p0 [hbm:s0], s1  }
0x5b: {  	s0 =	simm.s32 @!p0 $0x2  }
0x5c: {  	_ =	swait.ge @!p0 [sflag:s0], s1  }
0x5d: {  	s1 =	ssub.s32 @!p0 $0x0, s1;
	[sflag:s0] =	ssyncset.done @!p0 $0x0  }
0x5e: {  	[sflag:s0] =	ssyncadd.s32 @!p0 s1  }
0x5f: {  	[bflag:$0x3] =	sbarrier.arrive $0xFFFF  }
0x60: {  	_ =	shalt  }

</sc_bundles>
